<compile_context>
chip_gen: v7x
topology: tpu7x:2x2x1
jax: 0.10.2.dev20260603
libtpu: 0.0.44.dev20260713+nightly
codegen_flags: <defaults>
</compile_context>

<pallas_src>
import jax
import jax.numpy as jnp
from jax import lax
from jax.experimental import pallas as pl
from jax.experimental.pallas import tpu as pltpu

_BATCH = 4096
_FEAT = 8192
_RB = 256
_BB = 256
_D2 = 1024
_RI = 16

_KS0 = 0
_KS1 = 42
_KS2 = (0x1BD11BDA ^ _KS0 ^ _KS1) & 0xFFFFFFFF
_ROT_A = (13, 15, 26, 6)
_ROT_B = (17, 29, 16, 24)


def _c(v):
    return jnp.int32(v if v < 2**31 else v - 2**32)


def _rotl(x, r):
    return lax.shift_left(x, _c(r)) | lax.shift_right_logical(x, _c(32 - r))


def _mix(x0, x1, rots):
    for r in rots:
        x0 = x0 + x1
        x1 = _rotl(x1, r)
        x1 = x1 ^ x0
    return x0, x1


def _keep_mask(x1):
    x0 = x1
    x1 = _rotl(x1, _ROT_A[0]) ^ x0
    x0, x1 = _mix(x0, x1, _ROT_A[1:])
    x0, x1 = x0 + _c(_KS1), x1 + _c(_KS2 + 1)
    x0, x1 = _mix(x0, x1, _ROT_B)
    x0, x1 = x0 + _c(_KS2), x1 + _c(_KS0 + 2)
    x0, x1 = _mix(x0, x1, _ROT_A)
    x0, x1 = x0 + _c(_KS0), x1 + _c(_KS1 + 3)
    x0, x1 = _mix(x0, x1, _ROT_B)
    x0, x1 = x0 + _c(_KS1), x1 + _c(_KS2 + 4)
    x0, x1 = _mix(x0, x1, _ROT_A)
    x0, x1 = x0 + _c(_KS2), x1 + _c(_KS0 + 5)
    bits = x0 ^ x1
    return bits >= 0


def _rank_body(s_row_ref, s_col_ref, rank_ref):
    i = pl.program_id(0)
    s_all = s_row_ref[...]
    s_col = s_col_ref[...]
    gt = (s_all > s_col).astype(jnp.int32)
    idx_all = lax.broadcasted_iota(jnp.int32, (_RB, _BATCH), 1)
    row_ids = i * _RB + lax.broadcasted_iota(jnp.int32, (_RB, 1), 0)
    tie = ((s_all == s_col) & (idx_all < row_ids)).astype(jnp.int32)
    rank_ref[...] = jnp.sum(gt + tie, axis=1, keepdims=True)


def _apply_body(rank_ref, x_ref, o_ref):
    d1 = lax.broadcasted_iota(jnp.int32, (1, 8, _D2), 1)
    d2 = lax.broadcasted_iota(jnp.int32, (1, 8, _D2), 2)
    offs = (lax.shift_left((d2 >> 7) & 1, _c(12))
            + lax.shift_left(d1 >> 2, _c(11))
            + lax.shift_left(d2 & 127, _c(4))
            + lax.shift_left(d2 >> 8, _c(2))
            + (d1 & 3))

    def row(t, carry):
        x1 = jnp.concatenate(
            [(lax.shift_left(rank_ref[_RI * t + u, 0], _c(13)) + _c(_KS1))
             + offs for u in range(_RI)], axis=0)
        keep = _keep_mask(x1)
        x = x_ref[pl.ds(_RI * t, _RI)]
        o_ref[pl.ds(_RI * t, _RI)] = jnp.where(keep, x + x, jnp.zeros_like(x))
        return carry

    lax.fori_loop(0, _BB // _RI, row, 0)


def kernel(input, W, b):
    gap = jnp.mean(input, axis=(2, 3))
    logitsT = jnp.einsum("ok,bk->ob", W, gap) + b[:, None]
    h_xT = jax.nn.softmax(logitsT, axis=0)
    score = h_xT[0, :]

    s_row = score.reshape(1, _BATCH)
    s_col = score.reshape(_BATCH, 1)
    rank = pl.pallas_call(
        _rank_body,
        grid=(_BATCH // _RB,),
        in_specs=[
            pl.BlockSpec((1, _BATCH), lambda i: (0, 0)),
            pl.BlockSpec((_RB, 1), lambda i: (i, 0)),
        ],
        out_specs=pl.BlockSpec((_RB, 1), lambda i: (i, 0)),
        out_shape=jax.ShapeDtypeStruct((_BATCH, 1), jnp.int32),
        compiler_params=pltpu.CompilerParams(
            dimension_semantics=("arbitrary",)),
    )(s_row, s_col)

    x3 = (input.reshape(_BATCH, 2, 2, 128, 4, 4)
          .transpose(0, 2, 5, 4, 1, 3)
          .reshape(_BATCH, 8, 1024))
    out3 = pl.pallas_call(
        _apply_body,
        grid=(_BATCH // _BB,),
        in_specs=[
            pl.BlockSpec((_BB, 1), lambda i: (i, 0),
                         memory_space=pltpu.SMEM),
            pl.BlockSpec((_BB, 8, _D2), lambda i: (i, 0, 0)),
        ],
        out_specs=pl.BlockSpec((_BB, 8, _D2), lambda i: (i, 0, 0)),
        out_shape=jax.ShapeDtypeStruct((_BATCH, 8, 1024), jnp.float32),
        compiler_params=pltpu.CompilerParams(
            dimension_semantics=("parallel",)),
    )(rank, x3)
    return (out3.reshape(_BATCH, 2, 4, 4, 2, 128)
            .transpose(0, 4, 1, 5, 3, 2)
            .reshape(input.shape))

# --- scband reference (transcript-rebuilt; emitter-appended) ---
"""Pipeline reference for scband-camblock-dropout-2284922601575 (READ-ONLY COPY).

The authoritative reference and input builder live on the scoring server;
editing this copy changes nothing except your own understanding.
"""

import jax, jax.numpy as jnp
import numpy as np

PLANES = 512
NUM_CLASSES = 1000
DROP_RATE = 0.5
IS_IMAGENET = False
BATCH = 4096


def setup_inputs(seed: int = 0) -> dict:
    key = jax.random.key(seed)
    k1, k2, k3 = jax.random.split(key, 3)
    x = jax.random.normal(k1, (BATCH, PLANES, 4, 4), dtype=jnp.float32)
    # nn.Linear(planes, num_classes) parameters
    bound = 1.0 / np.sqrt(PLANES)
    W = jax.random.uniform(k2, (NUM_CLASSES, PLANES), minval=-bound, maxval=bound, dtype=jnp.float32)
    b = jax.random.uniform(k3, (NUM_CLASSES,), minval=-bound, maxval=bound, dtype=jnp.float32)
    return {"input": x, "W": W, "b": b}


def _dropout(x, p, key):
    # F.dropout(x, p) with training=True (functional default): keep prob 1-p, scale by 1/(1-p)
    keep = jax.random.bernoulli(key, 1.0 - p, x.shape)
    return jnp.where(keep, x / (1.0 - p), jnp.zeros_like(x))


def reference(input, W, b):
    # F.avg_pool2d(input, 4) on a 4x4 spatial map == mean over spatial dims -> [B, planes, 1, 1]
    gap = jnp.mean(input, axis=(2, 3))  # already flattened to [B, planes]
    # self.linear(gap)
    logits = gap @ W.T + b  # [B, num_classes]
    # _discriminative_idx: softmax over dim=1, sort along dim 0 descending, take column 0 of indices
    h_x = jax.nn.softmax(logits, axis=1)
    idx = jnp.argsort(-h_x, axis=0)  # descending sort indices along batch dim, [B, num_classes]
    cam_idx = idx[:, 0]  # [B] -- a permutation of batch indices ordered by class-0 prob
    # input[cam_idx] = F.dropout(input[cam_idx], p)  -> gather then scatter-overwrite
    gathered = input[cam_idx]
    dropped = _dropout(gathered, DROP_RATE, jax.random.key(42))
    out = input.at[cam_idx].set(dropped)
    return out

if __name__ == "__main__":
    import jax
    _d = setup_inputs()
    print(jax.jit(kernel)(*tuple(_d.values())))

</pallas_src>

<mosaic_0001>
module attributes {stable_mosaic.version = 14 : i64} {
  func.func @_rank_body(%arg0: i32, %arg1: memref<1x4096xf32, #tpu.memory_space<vmem>>, %arg2: memref<256x1xf32, #tpu.memory_space<vmem>>, %arg3: memref<256x1xi32, #tpu.memory_space<vmem>>) attributes {dimension_semantics = [#tpu.dimension_semantics<arbitrary>], iteration_bounds = array<i64: 16>, scalar_prefetch = 0 : i64, scratch_operands = 0 : i64, tpu.core_type = #tpu.core_type<tc>, window_params = [{pipeline_mode = #tpu.pipeline_mode<synchronous>, transform_indices = @transform_0, window_bounds = array<i64: 1, 4096>}, {transform_indices = @transform_1, window_bounds = array<i64: 256, 1>}, {transform_indices = @transform_2, window_bounds = array<i64: 256, 1>}]} {
    %get3A = arith.constant 0 : index
    %get3A_0 = arith.constant 0 : index
    %get3A_1 = vector.load %arg1[%get3A, %get3A_0] : memref<1x4096xf32, #tpu.memory_space<vmem>>, vector<1x4096xf32>
    %get3A_2 = arith.constant 0 : index
    %get3A_3 = arith.constant 0 : index
    %get3A_4 = vector.load %arg2[%get3A_2, %get3A_3] : memref<256x1xf32, #tpu.memory_space<vmem>>, vector<256x1xf32>
    %gt3A = vector.broadcast %get3A_1 : vector<1x4096xf32> to vector<256x4096xf32>
    %gt3A_5 = vector.broadcast %get3A_4 : vector<256x1xf32> to vector<256x4096xf32>
    %gt3A_6 = arith.cmpf ogt, %gt3A, %gt3A_5 : vector<256x4096xf32>
    %convert_element_type3A = arith.extui %gt3A_6 : vector<256x4096xi1> to vector<256x4096xi32>
    %iota3A = tpu.iota {dimensions = array<i32: 1>} : vector<256x4096xi32>
    %mul3A = arith.constant 256 : i32
    %mul3A_7 = arith.muli %arg0, %mul3A : i32
    %iota3A_8 = tpu.iota {dimensions = array<i32: 0>} : vector<256x1xi32>
    %add3A = vector.broadcast %mul3A_7 : i32 to vector<256x1xi32>
    %add3A_9 = arith.addi %add3A, %iota3A_8 : vector<256x1xi32>
    %eq3A = vector.broadcast %get3A_1 : vector<1x4096xf32> to vector<256x4096xf32>
    %eq3A_10 = vector.broadcast %get3A_4 : vector<256x1xf32> to vector<256x4096xf32>
    %eq3A_11 = arith.cmpf oeq, %eq3A, %eq3A_10 : vector<256x4096xf32>
    %lt3A = vector.broadcast %add3A_9 : vector<256x1xi32> to vector<256x4096xi32>
    %lt3A_12 = arith.cmpi slt, %iota3A, %lt3A : vector<256x4096xi32>
    %and3A = arith.andi %eq3A_11, %lt3A_12 : vector<256x4096xi1>
    %convert_element_type3A_13 = arith.extui %and3A : vector<256x4096xi1> to vector<256x4096xi32>
    %add3A_14 = arith.addi %convert_element_type3A, %convert_element_type3A_13 : vector<256x4096xi32>
    %reduce_sum3A = arith.constant dense<0> : vector<256xi32>
    %reduce_sum3A_15 = vector.multi_reduction <add>, %add3A_14, %reduce_sum3A [1] : vector<256x4096xi32> to vector<256xi32>
    %broadcast_in_dim3A = vector.shape_cast %reduce_sum3A_15 : vector<256xi32> to vector<256x1xi32>
    %swap3A = arith.constant 0 : index
    %swap3A_16 = arith.constant 0 : index
    %swap3A_17 = vector.load %arg3[%swap3A, %swap3A_16] : memref<256x1xi32, #tpu.memory_space<vmem>>, vector<256x1xi32>
    tpu.vector_store %arg3[%swap3A, %swap3A_16], %broadcast_in_dim3A {strides = array<i32>} : memref<256x1xi32, #tpu.memory_space<vmem>>, vector<256x1xi32>,
    return
  }
  func.func @transform_0(%arg0: i32) -> (i32, i32) {
    %c0_i32 = arith.constant 0 : i32
    %c0_i32_0 = arith.constant 0 : i32
    %c0_i32_1 = arith.constant 0 : i32
    return %c0_i32, %c0_i32_0 : i32, i32
  }
  func.func @transform_1(%arg0: i32) -> (i32, i32) {
    %c0_i32 = arith.constant 0 : i32
    %c0_i32_0 = arith.constant 0 : i32
    return %arg0, %c0_i32 : i32, i32
  }
  func.func @transform_2(%arg0: i32) -> (i32, i32) {
    %c0_i32 = arith.constant 0 : i32
    %c0_i32_0 = arith.constant 0 : i32
    return %arg0, %c0_i32 : i32, i32
  }
}

module attributes {stable_mosaic.version = 14 : i64} {
  func.func @_apply_body(%arg0: i32, %arg1: memref<256x1xi32, #tpu.memory_space<smem>>, %arg2: memref<256x8x1024xf32, #tpu.memory_space<vmem>>, %arg3: memref<256x8x1024xf32, #tpu.memory_space<vmem>>) attributes {dimension_semantics = [#tpu.dimension_semantics<parallel>], iteration_bounds = array<i64: 16>, scalar_prefetch = 0 : i64, scratch_operands = 0 : i64, tpu.core_type = #tpu.core_type<tc>, window_params = [{transform_indices = @transform_0, window_bounds = array<i64: 256, 1>}, {transform_indices = @transform_1, window_bounds = array<i64: 256, 8, 1024>}, {transform_indices = @transform_2, window_bounds = array<i64: 256, 8, 1024>}]} {
    %iota3A = tpu.iota {dimensions = array<i32: 1>} : vector<1x8x1024xi32>
    %iota3A_0 = tpu.iota {dimensions = array<i32: 2>} : vector<1x8x1024xi32>
    %shift_right_arithmetic3A = arith.constant 7 : i32
    %shift_right_arithmetic3A_1 = vector.broadcast %shift_right_arithmetic3A : i32 to vector<1x8x1024xi32>
    %shift_right_arithmetic3A_2 = arith.shrsi %iota3A_0, %shift_right_arithmetic3A_1 : vector<1x8x1024xi32>
    %and3A = arith.constant 1 : i32
    %and3A_3 = vector.broadcast %and3A : i32 to vector<1x8x1024xi32>
    %and3A_4 = arith.andi %shift_right_arithmetic3A_2, %and3A_3 : vector<1x8x1024xi32>
    %shift_left3A = arith.constant 12 : i32
    %shift_left3A_5 = vector.broadcast %shift_left3A : i32 to vector<1x8x1024xi32>
    %shift_left3A_6 = arith.shli %and3A_4, %shift_left3A_5 : vector<1x8x1024xi32>
    %shift_right_arithmetic3A_7 = arith.constant 2 : i32
    %shift_right_arithmetic3A_8 = vector.broadcast %shift_right_arithmetic3A_7 : i32 to vector<1x8x1024xi32>
    %shift_right_arithmetic3A_9 = arith.shrsi %iota3A, %shift_right_arithmetic3A_8 : vector<1x8x1024xi32>
    %shift_left3A_10 = arith.constant 11 : i32
    %shift_left3A_11 = vector.broadcast %shift_left3A_10 : i32 to vector<1x8x1024xi32>
    %shift_left3A_12 = arith.shli %shift_right_arithmetic3A_9, %shift_left3A_11 : vector<1x8x1024xi32>
    %add3A = arith.addi %shift_left3A_6, %shift_left3A_12 : vector<1x8x1024xi32>
    %and3A_13 = arith.constant 127 : i32
    %and3A_14 = vector.broadcast %and3A_13 : i32 to vector<1x8x1024xi32>
    %and3A_15 = arith.andi %iota3A_0, %and3A_14 : vector<1x8x1024xi32>
    %shift_left3A_16 = arith.constant 4 : i32
    %shift_left3A_17 = vector.broadcast %shift_left3A_16 : i32 to vector<1x8x1024xi32>
    %shift_left3A_18 = arith.shli %and3A_15, %shift_left3A_17 : vector<1x8x1024xi32>
    %add3A_19 = arith.addi %add3A, %shift_left3A_18 : vector<1x8x1024xi32>
    %shift_right_arithmetic3A_20 = arith.constant 8 : i32
    %shift_right_arithmetic3A_21 = vector.broadcast %shift_right_arithmetic3A_20 : i32 to vector<1x8x1024xi32>
    %shift_right_arithmetic3A_22 = arith.shrsi %iota3A_0, %shift_right_arithmetic3A_21 : vector<1x8x1024xi32>
    %shift_left3A_23 = arith.constant 2 : i32
    %shift_left3A_24 = vector.broadcast %shift_left3A_23 : i32 to vector<1x8x1024xi32>
    %shift_left3A_25 = arith.shli %shift_right_arithmetic3A_22, %shift_left3A_24 : vector<1x8x1024xi32>
    %add3A_26 = arith.addi %add3A_19, %shift_left3A_25 : vector<1x8x1024xi32>
    %and3A_27 = arith.constant 3 : i32
    %and3A_28 = vector.broadcast %and3A_27 : i32 to vector<1x8x1024xi32>
    %and3A_29 = arith.andi %iota3A, %and3A_28 : vector<1x8x1024xi32>
    %add3A_30 = arith.addi %add3A_26, %and3A_29 : vector<1x8x1024xi32>
    %scan3A = arith.constant 0 : i32
    %scan3A_31 = arith.constant 16 : i32
    %scan3A_32 = arith.addi %scan3A, %scan3A_31 : i32
    %scan3A_33 = arith.constant 1 : i32
    scf.for %scan3A_35 = %scan3A to %scan3A_32 step %scan3A_33  : i32 {
      %mul3A = arith.constant 16 : i32
      %mul3A_36 = arith.muli %mul3A, %scan3A_35 : i32
      %add3A_37 = arith.constant 0 : i32
      %add3A_38 = arith.addi %mul3A_36, %add3A_37 : i32
      %get3A = arith.index_cast %add3A_38 : i32 to index
      %get3A_39 = arith.constant 0 : index
      %get3A_40 = memref.load %arg1[%get3A, %get3A_39] : memref<256x1xi32, #tpu.memory_space<smem>>
      %shift_left3A_41 = arith.constant 13 : i32
      %shift_left3A_42 = arith.shli %get3A_40, %shift_left3A_41 : i32
      %add3A_43 = arith.constant 42 : i32
      %add3A_44 = arith.addi %shift_left3A_42, %add3A_43 : i32
      %add3A_45 = vector.broadcast %add3A_44 : i32 to vector<1x8x1024xi32>
      %add3A_46 = arith.addi %add3A_45, %add3A_30 : vector<1x8x1024xi32>
      %mul3A_47 = arith.constant 16 : i32
      %mul3A_48 = arith.muli %mul3A_47, %scan3A_35 : i32
      %add3A_49 = arith.constant 1 : i32
      %add3A_50 = arith.addi %mul3A_48, %add3A_49 : i32
      %get3A_51 = arith.index_cast %add3A_50 : i32 to index
      %get3A_52 = arith.constant 0 : index
      %get3A_53 = memref.load %arg1[%get3A_51, %get3A_52] : memref<256x1xi32, #tpu.memory_space<smem>>
      %shift_left3A_54 = arith.constant 13 : i32
      %shift_left3A_55 = arith.shli %get3A_53, %shift_left3A_54 : i32
      %add3A_56 = arith.constant 42 : i32
      %add3A_57 = arith.addi %shift_left3A_55, %add3A_56 : i32
      %add3A_58 = vector.broadcast %add3A_57 : i32 to vector<1x8x1024xi32>
      %add3A_59 = arith.addi %add3A_58, %add3A_30 : vector<1x8x1024xi32>
      %mul3A_60 = arith.constant 16 : i32
      %mul3A_61 = arith.muli %mul3A_60, %scan3A_35 : i32
      %add3A_62 = arith.constant 2 : i32
      %add3A_63 = arith.addi %mul3A_61, %add3A_62 : i32
      %get3A_64 = arith.index_cast %add3A_63 : i32 to index
      %get3A_65 = arith.constant 0 : index
      %get3A_66 = memref.load %arg1[%get3A_64, %get3A_65] : memref<256x1xi32, #tpu.memory_space<smem>>
      %shift_left3A_67 = arith.constant 13 : i32
      %shift_left3A_68 = arith.shli %get3A_66, %shift_left3A_67 : i32
      %add3A_69 = arith.constant 42 : i32
      %add3A_70 = arith.addi %shift_left3A_68, %add3A_69 : i32
      %add3A_71 = vector.broadcast %add3A_70 : i32 to vector<1x8x1024xi32>
      %add3A_72 = arith.addi %add3A_71, %add3A_30 : vector<1x8x1024xi32>
      %mul3A_73 = arith.constant 16 : i32
      %mul3A_74 = arith.muli %mul3A_73, %scan3A_35 : i32
      %add3A_75 = arith.constant 3 : i32
      %add3A_76 = arith.addi %mul3A_74, %add3A_75 : i32
      %get3A_77 = arith.index_cast %add3A_76 : i32 to index
      %get3A_78 = arith.constant 0 : index
      %get3A_79 = memref.load %arg1[%get3A_77, %get3A_78] : memref<256x1xi32, #tpu.memory_space<smem>>
      %shift_left3A_80 = arith.constant 13 : i32
      %shift_left3A_81 = arith.shli %get3A_79, %shift_left3A_80 : i32
      %add3A_82 = arith.constant 42 : i32
      %add3A_83 = arith.addi %shift_left3A_81, %add3A_82 : i32
      %add3A_84 = vector.broadcast %add3A_83 : i32 to vector<1x8x1024xi32>
      %add3A_85 = arith.addi %add3A_84, %add3A_30 : vector<1x8x1024xi32>
      %mul3A_86 = arith.constant 16 : i32
      %mul3A_87 = arith.muli %mul3A_86, %scan3A_35 : i32
      %add3A_88 = arith.constant 4 : i32
      %add3A_89 = arith.addi %mul3A_87, %add3A_88 : i32
      %get3A_90 = arith.index_cast %add3A_89 : i32 to index
      %get3A_91 = arith.constant 0 : index
      %get3A_92 = memref.load %arg1[%get3A_90, %get3A_91] : memref<256x1xi32, #tpu.memory_space<smem>>
      %shift_left3A_93 = arith.constant 13 : i32
      %shift_left3A_94 = arith.shli %get3A_92, %shift_left3A_93 : i32
      %add3A_95 = arith.constant 42 : i32
      %add3A_96 = arith.addi %shift_left3A_94, %add3A_95 : i32
      %add3A_97 = vector.broadcast %add3A_96 : i32 to vector<1x8x1024xi32>
      %add3A_98 = arith.addi %add3A_97, %add3A_30 : vector<1x8x1024xi32>
      %mul3A_99 = arith.constant 16 : i32
      %mul3A_100 = arith.muli %mul3A_99, %scan3A_35 : i32
      %add3A_101 = arith.constant 5 : i32
      %add3A_102 = arith.addi %mul3A_100, %add3A_101 : i32
      %get3A_103 = arith.index_cast %add3A_102 : i32 to index
      %get3A_104 = arith.constant 0 : index
      %get3A_105 = memref.load %arg1[%get3A_103, %get3A_104] : memref<256x1xi32, #tpu.memory_space<smem>>
      %shift_left3A_106 = arith.constant 13 : i32
      %shift_left3A_107 = arith.shli %get3A_105, %shift_left3A_106 : i32
      %add3A_108 = arith.constant 42 : i32
      %add3A_109 = arith.addi %shift_left3A_107, %add3A_108 : i32
      %add3A_110 = vector.broadcast %add3A_109 : i32 to vector<1x8x1024xi32>
      %add3A_111 = arith.addi %add3A_110, %add3A_30 : vector<1x8x1024xi32>
      %mul3A_112 = arith.constant 16 : i32
      %mul3A_113 = arith.muli %mul3A_112, %scan3A_35 : i32
      %add3A_114 = arith.constant 6 : i32
      %add3A_115 = arith.addi %mul3A_113, %add3A_114 : i32
      %get3A_116 = arith.index_cast %add3A_115 : i32 to index
      %get3A_117 = arith.constant 0 : index
      %get3A_118 = memref.load %arg1[%get3A_116, %get3A_117] : memref<256x1xi32, #tpu.memory_space<smem>>
      %shift_left3A_119 = arith.constant 13 : i32
      %shift_left3A_120 = arith.shli %get3A_118, %shift_left3A_119 : i32
      %add3A_121 = arith.constant 42 : i32
      %add3A_122 = arith.addi %shift_left3A_120, %add3A_121 : i32
      %add3A_123 = vector.broadcast %add3A_122 : i32 to vector<1x8x1024xi32>
      %add3A_124 = arith.addi %add3A_123, %add3A_30 : vector<1x8x1024xi32>
      %mul3A_125 = arith.constant 16 : i32
      %mul3A_126 = arith.muli %mul3A_125, %scan3A_35 : i32
      %add3A_127 = arith.constant 7 : i32
      %add3A_128 = arith.addi %mul3A_126, %add3A_127 : i32
      %get3A_129 = arith.index_cast %add3A_128 : i32 to index
      %get3A_130 = arith.constant 0 : index
      %get3A_131 = memref.load %arg1[%get3A_129, %get3A_130] : memref<256x1xi32, #tpu.memory_space<smem>>
      %shift_left3A_132 = arith.constant 13 : i32
      %shift_left3A_133 = arith.shli %get3A_131, %shift_left3A_132 : i32
      %add3A_134 = arith.constant 42 : i32
      %add3A_135 = arith.addi %shift_left3A_133, %add3A_134 : i32
      %add3A_136 = vector.broadcast %add3A_135 : i32 to vector<1x8x1024xi32>
      %add3A_137 = arith.addi %add3A_136, %add3A_30 : vector<1x8x1024xi32>
      %mul3A_138 = arith.constant 16 : i32
      %mul3A_139 = arith.muli %mul3A_138, %scan3A_35 : i32
      %add3A_140 = arith.constant 8 : i32
      %add3A_141 = arith.addi %mul3A_139, %add3A_140 : i32
      %get3A_142 = arith.index_cast %add3A_141 : i32 to index
      %get3A_143 = arith.constant 0 : index
      %get3A_144 = memref.load %arg1[%get3A_142, %get3A_143] : memref<256x1xi32, #tpu.memory_space<smem>>
      %shift_left3A_145 = arith.constant 13 : i32
      %shift_left3A_146 = arith.shli %get3A_144, %shift_left3A_145 : i32
      %add3A_147 = arith.constant 42 : i32
      %add3A_148 = arith.addi %shift_left3A_146, %add3A_147 : i32
      %add3A_149 = vector.broadcast %add3A_148 : i32 to vector<1x8x1024xi32>
      %add3A_150 = arith.addi %add3A_149, %add3A_30 : vector<1x8x1024xi32>
      %mul3A_151 = arith.constant 16 : i32
      %mul3A_152 = arith.muli %mul3A_151, %scan3A_35 : i32
      %add3A_153 = arith.constant 9 : i32
      %add3A_154 = arith.addi %mul3A_152, %add3A_153 : i32
      %get3A_155 = arith.index_cast %add3A_154 : i32 to index
      %get3A_156 = arith.constant 0 : index
      %get3A_157 = memref.load %arg1[%get3A_155, %get3A_156] : memref<256x1xi32, #tpu.memory_space<smem>>
      %shift_left3A_158 = arith.constant 13 : i32
      %shift_left3A_159 = arith.shli %get3A_157, %shift_left3A_158 : i32
      %add3A_160 = arith.constant 42 : i32
      %add3A_161 = arith.addi %shift_left3A_159, %add3A_160 : i32
      %add3A_162 = vector.broadcast %add3A_161 : i32 to vector<1x8x1024xi32>
      %add3A_163 = arith.addi %add3A_162, %add3A_30 : vector<1x8x1024xi32>
      %mul3A_164 = arith.constant 16 : i32
      %mul3A_165 = arith.muli %mul3A_164, %scan3A_35 : i32
      %add3A_166 = arith.constant 10 : i32
      %add3A_167 = arith.addi %mul3A_165, %add3A_166 : i32
      %get3A_168 = arith.index_cast %add3A_167 : i32 to index
      %get3A_169 = arith.constant 0 : index
      %get3A_170 = memref.load %arg1[%get3A_168, %get3A_169] : memref<256x1xi32, #tpu.memory_space<smem>>
      %shift_left3A_171 = arith.constant 13 : i32
      %shift_left3A_172 = arith.shli %get3A_170, %shift_left3A_171 : i32
      %add3A_173 = arith.constant 42 : i32
      %add3A_174 = arith.addi %shift_left3A_172, %add3A_173 : i32
      %add3A_175 = vector.broadcast %add3A_174 : i32 to vector<1x8x1024xi32>
      %add3A_176 = arith.addi %add3A_175, %add3A_30 : vector<1x8x1024xi32>
      %mul3A_177 = arith.constant 16 : i32
      %mul3A_178 = arith.muli %mul3A_177, %scan3A_35 : i32
      %add3A_179 = arith.constant 11 : i32
      %add3A_180 = arith.addi %mul3A_178, %add3A_179 : i32
      %get3A_181 = arith.index_cast %add3A_180 : i32 to index
      %get3A_182 = arith.constant 0 : index
      %get3A_183 = memref.load %arg1[%get3A_181, %get3A_182] : memref<256x1xi32, #tpu.memory_space<smem>>
      %shift_left3A_184 = arith.constant 13 : i32
      %shift_left3A_185 = arith.shli %get3A_183, %shift_left3A_184 : i32
      %add3A_186 = arith.constant 42 : i32
      %add3A_187 = arith.addi %shift_left3A_185, %add3A_186 : i32
      %add3A_188 = vector.broadcast %add3A_187 : i32 to vector<1x8x1024xi32>
      %add3A_189 = arith.addi %add3A_188, %add3A_30 : vector<1x8x1024xi32>
      %mul3A_190 = arith.constant 16 : i32
      %mul3A_191 = arith.muli %mul3A_190, %scan3A_35 : i32
      %add3A_192 = arith.constant 12 : i32
      %add3A_193 = arith.addi %mul3A_191, %add3A_192 : i32
      %get3A_194 = arith.index_cast %add3A_193 : i32 to index
      %get3A_195 = arith.constant 0 : index
      %get3A_196 = memref.load %arg1[%get3A_194, %get3A_195] : memref<256x1xi32, #tpu.memory_space<smem>>
      %shift_left3A_197 = arith.constant 13 : i32
      %shift_left3A_198 = arith.shli %get3A_196, %shift_left3A_197 : i32
      %add3A_199 = arith.constant 42 : i32
      %add3A_200 = arith.addi %shift_left3A_198, %add3A_199 : i32
      %add3A_201 = vector.broadcast %add3A_200 : i32 to vector<1x8x1024xi32>
      %add3A_202 = arith.addi %add3A_201, %add3A_30 : vector<1x8x1024xi32>
      %mul3A_203 = arith.constant 16 : i32
      %mul3A_204 = arith.muli %mul3A_203, %scan3A_35 : i32
      %add3A_205 = arith.constant 13 : i32
      %add3A_206 = arith.addi %mul3A_204, %add3A_205 : i32
      %get3A_207 = arith.index_cast %add3A_206 : i32 to index
      %get3A_208 = arith.constant 0 : index
      %get3A_209 = memref.load %arg1[%get3A_207, %get3A_208] : memref<256x1xi32, #tpu.memory_space<smem>>
      %shift_left3A_210 = arith.constant 13 : i32
      %shift_left3A_211 = arith.shli %get3A_209, %shift_left3A_210 : i32
      %add3A_212 = arith.constant 42 : i32
      %add3A_213 = arith.addi %shift_left3A_211, %add3A_212 : i32
      %add3A_214 = vector.broadcast %add3A_213 : i32 to vector<1x8x1024xi32>
      %add3A_215 = arith.addi %add3A_214, %add3A_30 : vector<1x8x1024xi32>
      %mul3A_216 = arith.constant 16 : i32
      %mul3A_217 = arith.muli %mul3A_216, %scan3A_35 : i32
      %add3A_218 = arith.constant 14 : i32
      %add3A_219 = arith.addi %mul3A_217, %add3A_218 : i32
      %get3A_220 = arith.index_cast %add3A_219 : i32 to index
      %get3A_221 = arith.constant 0 : index
      %get3A_222 = memref.load %arg1[%get3A_220, %get3A_221] : memref<256x1xi32, #tpu.memory_space<smem>>
      %shift_left3A_223 = arith.constant 13 : i32
      %shift_left3A_224 = arith.shli %get3A_222, %shift_left3A_223 : i32
      %add3A_225 = arith.constant 42 : i32
      %add3A_226 = arith.addi %shift_left3A_224, %add3A_225 : i32
      %add3A_227 = vector.broadcast %add3A_226 : i32 to vector<1x8x1024xi32>
      %add3A_228 = arith.addi %add3A_227, %add3A_30 : vector<1x8x1024xi32>
      %mul3A_229 = arith.constant 16 : i32
      %mul3A_230 = arith.muli %mul3A_229, %scan3A_35 : i32
      %add3A_231 = arith.constant 15 : i32
      %add3A_232 = arith.addi %mul3A_230, %add3A_231 : i32
      %get3A_233 = arith.index_cast %add3A_232 : i32 to index
      %get3A_234 = arith.constant 0 : index
      %get3A_235 = memref.load %arg1[%get3A_233, %get3A_234] : memref<256x1xi32, #tpu.memory_space<smem>>
      %shift_left3A_236 = arith.constant 13 : i32
      %shift_left3A_237 = arith.shli %get3A_235, %shift_left3A_236 : i32
      %add3A_238 = arith.constant 42 : i32
      %add3A_239 = arith.addi %shift_left3A_237, %add3A_238 : i32
      %add3A_240 = vector.broadcast %add3A_239 : i32 to vector<1x8x1024xi32>
      %add3A_241 = arith.addi %add3A_240, %add3A_30 : vector<1x8x1024xi32>
      %concatenate3A = tpu.concatenate %add3A_46, %add3A_59, %add3A_72, %add3A_85, %add3A_98, %add3A_111, %add3A_124, %add3A_137, %add3A_150, %add3A_163, %add3A_176, %add3A_189, %add3A_202, %add3A_215, %add3A_228, %add3A_241 in 0 : vector<1x8x1024xi32>, vector<1x8x1024xi32>, vector<1x8x1024xi32>, vector<1x8x1024xi32>, vector<1x8x1024xi32>, vector<1x8x1024xi32>, vector<1x8x1024xi32>, vector<1x8x1024xi32>, vector<1x8x1024xi32>, vector<1x8x1024xi32>, vector<1x8x1024xi32>, vector<1x8x1024xi32>, vector<1x8x1024xi32>, vector<1x8x1024xi32>, vector<1x8x1024xi32>, vector<1x8x1024xi32> -> vector<16x8x1024xi32>
      %shift_left3A_242 = arith.constant 13 : i32
      %shift_left3A_243 = vector.broadcast %shift_left3A_242 : i32 to vector<16x8x1024xi32>
      %shift_left3A_244 = arith.shli %concatenate3A, %shift_left3A_243 : vector<16x8x1024xi32>
      %shift_right_logical3A = arith.constant 19 : i32
      %shift_right_logical3A_245 = vector.broadcast %shift_right_logical3A : i32 to vector<16x8x1024xi32>
      %shift_right_logical3A_246 = arith.shrui %concatenate3A, %shift_right_logical3A_245 : vector<16x8x1024xi32>
      %or3A = arith.ori %shift_left3A_244, %shift_right_logical3A_246 : vector<16x8x1024xi32>
      %xor3A = arith.xori %or3A, %concatenate3A : vector<16x8x1024xi32>
      %add3A_247 = arith.addi %concatenate3A, %xor3A : vector<16x8x1024xi32>
      %shift_left3A_248 = arith.constant 15 : i32
      %shift_left3A_249 = vector.broadcast %shift_left3A_248 : i32 to vector<16x8x1024xi32>
      %shift_left3A_250 = arith.shli %xor3A, %shift_left3A_249 : vector<16x8x1024xi32>
      %shift_right_logical3A_251 = arith.constant 17 : i32
      %shift_right_logical3A_252 = vector.broadcast %shift_right_logical3A_251 : i32 to vector<16x8x1024xi32>
      %shift_right_logical3A_253 = arith.shrui %xor3A, %shift_right_logical3A_252 : vector<16x8x1024xi32>
      %or3A_254 = arith.ori %shift_left3A_250, %shift_right_logical3A_253 : vector<16x8x1024xi32>
      %xor3A_255 = arith.xori %or3A_254, %add3A_247 : vector<16x8x1024xi32>
      %add3A_256 = arith.addi %add3A_247, %xor3A_255 : vector<16x8x1024xi32>
      %shift_left3A_257 = arith.constant 26 : i32
      %shift_left3A_258 = vector.broadcast %shift_left3A_257 : i32 to vector<16x8x1024xi32>
      %shift_left3A_259 = arith.shli %xor3A_255, %shift_left3A_258 : vector<16x8x1024xi32>
      %shift_right_logical3A_260 = arith.constant 6 : i32
      %shift_right_logical3A_261 = vector.broadcast %shift_right_logical3A_260 : i32 to vector<16x8x1024xi32>
      %shift_right_logical3A_262 = arith.shrui %xor3A_255, %shift_right_logical3A_261 : vector<16x8x1024xi32>
      %or3A_263 = arith.ori %shift_left3A_259, %shift_right_logical3A_262 : vector<16x8x1024xi32>
      %xor3A_264 = arith.xori %or3A_263, %add3A_256 : vector<16x8x1024xi32>
      %add3A_265 = arith.addi %add3A_256, %xor3A_264 : vector<16x8x1024xi32>
      %shift_left3A_266 = arith.constant 6 : i32
      %shift_left3A_267 = vector.broadcast %shift_left3A_266 : i32 to vector<16x8x1024xi32>
      %shift_left3A_268 = arith.shli %xor3A_264, %shift_left3A_267 : vector<16x8x1024xi32>
      %shift_right_logical3A_269 = arith.constant 26 : i32
      %shift_right_logical3A_270 = vector.broadcast %shift_right_logical3A_269 : i32 to vector<16x8x1024xi32>
      %shift_right_logical3A_271 = arith.shrui %xor3A_264, %shift_right_logical3A_270 : vector<16x8x1024xi32>
      %or3A_272 = arith.ori %shift_left3A_268, %shift_right_logical3A_271 : vector<16x8x1024xi32>
      %xor3A_273 = arith.xori %or3A_272, %add3A_265 : vector<16x8x1024xi32>
      %add3A_274 = arith.constant 42 : i32
      %add3A_275 = vector.broadcast %add3A_274 : i32 to vector<16x8x1024xi32>
      %add3A_276 = arith.addi %add3A_265, %add3A_275 : vector<16x8x1024xi32>
      %add3A_277 = arith.constant 466689009 : i32
      %add3A_278 = vector.broadcast %add3A_277 : i32 to vector<16x8x1024xi32>
      %add3A_279 = arith.addi %xor3A_273, %add3A_278 : vector<16x8x1024xi32>
      %add3A_280 = arith.addi %add3A_276, %add3A_279 : vector<16x8x1024xi32>
      %shift_left3A_281 = arith.constant 17 : i32
      %shift_left3A_282 = vector.broadcast %shift_left3A_281 : i32 to vector<16x8x1024xi32>
      %shift_left3A_283 = arith.shli %add3A_279, %shift_left3A_282 : vector<16x8x1024xi32>
      %shift_right_logical3A_284 = arith.constant 15 : i32
      %shift_right_logical3A_285 = vector.broadcast %shift_right_logical3A_284 : i32 to vector<16x8x1024xi32>
      %shift_right_logical3A_286 = arith.shrui %add3A_279, %shift_right_logical3A_285 : vector<16x8x1024xi32>
      %or3A_287 = arith.ori %shift_left3A_283, %shift_right_logical3A_286 : vector<16x8x1024xi32>
      %xor3A_288 = arith.xori %or3A_287, %add3A_280 : vector<16x8x1024xi32>
      %add3A_289 = arith.addi %add3A_280, %xor3A_288 : vector<16x8x1024xi32>
      %shift_left3A_290 = arith.constant 29 : i32
      %shift_left3A_291 = vector.broadcast %shift_left3A_290 : i32 to vector<16x8x1024xi32>
      %shift_left3A_292 = arith.shli %xor3A_288, %shift_left3A_291 : vector<16x8x1024xi32>
      %shift_right_logical3A_293 = arith.constant 3 : i32
      %shift_right_logical3A_294 = vector.broadcast %shift_right_logical3A_293 : i32 to vector<16x8x1024xi32>
      %shift_right_logical3A_295 = arith.shrui %xor3A_288, %shift_right_logical3A_294 : vector<16x8x1024xi32>
      %or3A_296 = arith.ori %shift_left3A_292, %shift_right_logical3A_295 : vector<16x8x1024xi32>
      %xor3A_297 = arith.xori %or3A_296, %add3A_289 : vector<16x8x1024xi32>
      %add3A_298 = arith.addi %add3A_289, %xor3A_297 : vector<16x8x1024xi32>
      %shift_left3A_299 = arith.constant 16 : i32
      %shift_left3A_300 = vector.broadcast %shift_left3A_299 : i32 to vector<16x8x1024xi32>
      %shift_left3A_301 = arith.shli %xor3A_297, %shift_left3A_300 : vector<16x8x1024xi32>
      %shift_right_logical3A_302 = arith.constant 16 : i32
      %shift_right_logical3A_303 = vector.broadcast %shift_right_logical3A_302 : i32 to vector<16x8x1024xi32>
      %shift_right_logical3A_304 = arith.shrui %xor3A_297, %shift_right_logical3A_303 : vector<16x8x1024xi32>
      %or3A_305 = arith.ori %shift_left3A_301, %shift_right_logical3A_304 : vector<16x8x1024xi32>
      %xor3A_306 = arith.xori %or3A_305, %add3A_298 : vector<16x8x1024xi32>
      %add3A_307 = arith.addi %add3A_298, %xor3A_306 : vector<16x8x1024xi32>
      %shift_left3A_308 = arith.constant 24 : i32
      %shift_left3A_309 = vector.broadcast %shift_left3A_308 : i32 to vector<16x8x1024xi32>
      %shift_left3A_310 = arith.shli %xor3A_306, %shift_left3A_309 : vector<16x8x1024xi32>
      %shift_right_logical3A_311 = arith.constant 8 : i32
      %shift_right_logical3A_312 = vector.broadcast %shift_right_logical3A_311 : i32 to vector<16x8x1024xi32>
      %shift_right_logical3A_313 = arith.shrui %xor3A_306, %shift_right_logical3A_312 : vector<16x8x1024xi32>
      %or3A_314 = arith.ori %shift_left3A_310, %shift_right_logical3A_313 : vector<16x8x1024xi32>
      %xor3A_315 = arith.xori %or3A_314, %add3A_307 : vector<16x8x1024xi32>
      %add3A_316 = arith.constant 466689008 : i32
      %add3A_317 = vector.broadcast %add3A_316 : i32 to vector<16x8x1024xi32>
      %add3A_318 = arith.addi %add3A_307, %add3A_317 : vector<16x8x1024xi32>
      %add3A_319 = arith.constant 2 : i32
      %add3A_320 = vector.broadcast %add3A_319 : i32 to vector<16x8x1024xi32>
      %add3A_321 = arith.addi %xor3A_315, %add3A_320 : vector<16x8x1024xi32>
      %add3A_322 = arith.addi %add3A_318, %add3A_321 : vector<16x8x1024xi32>
      %shift_left3A_323 = arith.constant 13 : i32
      %shift_left3A_324 = vector.broadcast %shift_left3A_323 : i32 to vector<16x8x1024xi32>
      %shift_left3A_325 = arith.shli %add3A_321, %shift_left3A_324 : vector<16x8x1024xi32>
      %shift_right_logical3A_326 = arith.constant 19 : i32
      %shift_right_logical3A_327 = vector.broadcast %shift_right_logical3A_326 : i32 to vector<16x8x1024xi32>
      %shift_right_logical3A_328 = arith.shrui %add3A_321, %shift_right_logical3A_327 : vector<16x8x1024xi32>
      %or3A_329 = arith.ori %shift_left3A_325, %shift_right_logical3A_328 : vector<16x8x1024xi32>
      %xor3A_330 = arith.xori %or3A_329, %add3A_322 : vector<16x8x1024xi32>
      %add3A_331 = arith.addi %add3A_322, %xor3A_330 : vector<16x8x1024xi32>
      %shift_left3A_332 = arith.constant 15 : i32
      %shift_left3A_333 = vector.broadcast %shift_left3A_332 : i32 to vector<16x8x1024xi32>
      %shift_left3A_334 = arith.shli %xor3A_330, %shift_left3A_333 : vector<16x8x1024xi32>
      %shift_right_logical3A_335 = arith.constant 17 : i32
      %shift_right_logical3A_336 = vector.broadcast %shift_right_logical3A_335 : i32 to vector<16x8x1024xi32>
      %shift_right_logical3A_337 = arith.shrui %xor3A_330, %shift_right_logical3A_336 : vector<16x8x1024xi32>
      %or3A_338 = arith.ori %shift_left3A_334, %shift_right_logical3A_337 : vector<16x8x1024xi32>
      %xor3A_339 = arith.xori %or3A_338, %add3A_331 : vector<16x8x1024xi32>
      %add3A_340 = arith.addi %add3A_331, %xor3A_339 : vector<16x8x1024xi32>
      %shift_left3A_341 = arith.constant 26 : i32
      %shift_left3A_342 = vector.broadcast %shift_left3A_341 : i32 to vector<16x8x1024xi32>
      %shift_left3A_343 = arith.shli %xor3A_339, %shift_left3A_342 : vector<16x8x1024xi32>
      %shift_right_logical3A_344 = arith.constant 6 : i32
      %shift_right_logical3A_345 = vector.broadcast %shift_right_logical3A_344 : i32 to vector<16x8x1024xi32>
      %shift_right_logical3A_346 = arith.shrui %xor3A_339, %shift_right_logical3A_345 : vector<16x8x1024xi32>
      %or3A_347 = arith.ori %shift_left3A_343, %shift_right_logical3A_346 : vector<16x8x1024xi32>
      %xor3A_348 = arith.xori %or3A_347, %add3A_340 : vector<16x8x1024xi32>
      %add3A_349 = arith.addi %add3A_340, %xor3A_348 : vector<16x8x1024xi32>
      %shift_left3A_350 = arith.constant 6 : i32
      %shift_left3A_351 = vector.broadcast %shift_left3A_350 : i32 to vector<16x8x1024xi32>
      %shift_left3A_352 = arith.shli %xor3A_348, %shift_left3A_351 : vector<16x8x1024xi32>
      %shift_right_logical3A_353 = arith.constant 26 : i32
      %shift_right_logical3A_354 = vector.broadcast %shift_right_logical3A_353 : i32 to vector<16x8x1024xi32>
      %shift_right_logical3A_355 = arith.shrui %xor3A_348, %shift_right_logical3A_354 : vector<16x8x1024xi32>
      %or3A_356 = arith.ori %shift_left3A_352, %shift_right_logical3A_355 : vector<16x8x1024xi32>
      %xor3A_357 = arith.xori %or3A_356, %add3A_349 : vector<16x8x1024xi32>
      %add3A_358 = arith.constant 0 : i32
      %add3A_359 = vector.broadcast %add3A_358 : i32 to vector<16x8x1024xi32>
      %add3A_360 = arith.addi %add3A_349, %add3A_359 : vector<16x8x1024xi32>
      %add3A_361 = arith.constant 45 : i32
      %add3A_362 = vector.broadcast %add3A_361 : i32 to vector<16x8x1024xi32>
      %add3A_363 = arith.addi %xor3A_357, %add3A_362 : vector<16x8x1024xi32>
      %add3A_364 = arith.addi %add3A_360, %add3A_363 : vector<16x8x1024xi32>
      %shift_left3A_365 = arith.constant 17 : i32
      %shift_left3A_366 = vector.broadcast %shift_left3A_365 : i32 to vector<16x8x1024xi32>
      %shift_left3A_367 = arith.shli %add3A_363, %shift_left3A_366 : vector<16x8x1024xi32>
      %shift_right_logical3A_368 = arith.constant 15 : i32
      %shift_right_logical3A_369 = vector.broadcast %shift_right_logical3A_368 : i32 to vector<16x8x1024xi32>
      %shift_right_logical3A_370 = arith.shrui %add3A_363, %shift_right_logical3A_369 : vector<16x8x1024xi32>
      %or3A_371 = arith.ori %shift_left3A_367, %shift_right_logical3A_370 : vector<16x8x1024xi32>
      %xor3A_372 = arith.xori %or3A_371, %add3A_364 : vector<16x8x1024xi32>
      %add3A_373 = arith.addi %add3A_364, %xor3A_372 : vector<16x8x1024xi32>
      %shift_left3A_374 = arith.constant 29 : i32
      %shift_left3A_375 = vector.broadcast %shift_left3A_374 : i32 to vector<16x8x1024xi32>
      %shift_left3A_376 = arith.shli %xor3A_372, %shift_left3A_375 : vector<16x8x1024xi32>
      %shift_right_logical3A_377 = arith.constant 3 : i32
      %shift_right_logical3A_378 = vector.broadcast %shift_right_logical3A_377 : i32 to vector<16x8x1024xi32>
      %shift_right_logical3A_379 = arith.shrui %xor3A_372, %shift_right_logical3A_378 : vector<16x8x1024xi32>
      %or3A_380 = arith.ori %shift_left3A_376, %shift_right_logical3A_379 : vector<16x8x1024xi32>
      %xor3A_381 = arith.xori %or3A_380, %add3A_373 : vector<16x8x1024xi32>
      %add3A_382 = arith.addi %add3A_373, %xor3A_381 : vector<16x8x1024xi32>
      %shift_left3A_383 = arith.constant 16 : i32
      %shift_left3A_384 = vector.broadcast %shift_left3A_383 : i32 to vector<16x8x1024xi32>
      %shift_left3A_385 = arith.shli %xor3A_381, %shift_left3A_384 : vector<16x8x1024xi32>
      %shift_right_logical3A_386 = arith.constant 16 : i32
      %shift_right_logical3A_387 = vector.broadcast %shift_right_logical3A_386 : i32 to vector<16x8x1024xi32>
      %shift_right_logical3A_388 = arith.shrui %xor3A_381, %shift_right_logical3A_387 : vector<16x8x1024xi32>
      %or3A_389 = arith.ori %shift_left3A_385, %shift_right_logical3A_388 : vector<16x8x1024xi32>
      %xor3A_390 = arith.xori %or3A_389, %add3A_382 : vector<16x8x1024xi32>
      %add3A_391 = arith.addi %add3A_382, %xor3A_390 : vector<16x8x1024xi32>
      %shift_left3A_392 = arith.constant 24 : i32
      %shift_left3A_393 = vector.broadcast %shift_left3A_392 : i32 to vector<16x8x1024xi32>
      %shift_left3A_394 = arith.shli %xor3A_390, %shift_left3A_393 : vector<16x8x1024xi32>
      %shift_right_logical3A_395 = arith.constant 8 : i32
      %shift_right_logical3A_396 = vector.broadcast %shift_right_logical3A_395 : i32 to vector<16x8x1024xi32>
      %shift_right_logical3A_397 = arith.shrui %xor3A_390, %shift_right_logical3A_396 : vector<16x8x1024xi32>
      %or3A_398 = arith.ori %shift_left3A_394, %shift_right_logical3A_397 : vector<16x8x1024xi32>
      %xor3A_399 = arith.xori %or3A_398, %add3A_391 : vector<16x8x1024xi32>
      %add3A_400 = arith.constant 42 : i32
      %add3A_401 = vector.broadcast %add3A_400 : i32 to vector<16x8x1024xi32>
      %add3A_402 = arith.addi %add3A_391, %add3A_401 : vector<16x8x1024xi32>
      %add3A_403 = arith.constant 466689012 : i32
      %add3A_404 = vector.broadcast %add3A_403 : i32 to vector<16x8x1024xi32>
      %add3A_405 = arith.addi %xor3A_399, %add3A_404 : vector<16x8x1024xi32>
      %add3A_406 = arith.addi %add3A_402, %add3A_405 : vector<16x8x1024xi32>
      %shift_left3A_407 = arith.constant 13 : i32
      %shift_left3A_408 = vector.broadcast %shift_left3A_407 : i32 to vector<16x8x1024xi32>
      %shift_left3A_409 = arith.shli %add3A_405, %shift_left3A_408 : vector<16x8x1024xi32>
      %shift_right_logical3A_410 = arith.constant 19 : i32
      %shift_right_logical3A_411 = vector.broadcast %shift_right_logical3A_410 : i32 to vector<16x8x1024xi32>
      %shift_right_logical3A_412 = arith.shrui %add3A_405, %shift_right_logical3A_411 : vector<16x8x1024xi32>
      %or3A_413 = arith.ori %shift_left3A_409, %shift_right_logical3A_412 : vector<16x8x1024xi32>
      %xor3A_414 = arith.xori %or3A_413, %add3A_406 : vector<16x8x1024xi32>
      %add3A_415 = arith.addi %add3A_406, %xor3A_414 : vector<16x8x1024xi32>
      %shift_left3A_416 = arith.constant 15 : i32
      %shift_left3A_417 = vector.broadcast %shift_left3A_416 : i32 to vector<16x8x1024xi32>
      %shift_left3A_418 = arith.shli %xor3A_414, %shift_left3A_417 : vector<16x8x1024xi32>
      %shift_right_logical3A_419 = arith.constant 17 : i32
      %shift_right_logical3A_420 = vector.broadcast %shift_right_logical3A_419 : i32 to vector<16x8x1024xi32>
      %shift_right_logical3A_421 = arith.shrui %xor3A_414, %shift_right_logical3A_420 : vector<16x8x1024xi32>
      %or3A_422 = arith.ori %shift_left3A_418, %shift_right_logical3A_421 : vector<16x8x1024xi32>
      %xor3A_423 = arith.xori %or3A_422, %add3A_415 : vector<16x8x1024xi32>
      %add3A_424 = arith.addi %add3A_415, %xor3A_423 : vector<16x8x1024xi32>
      %shift_left3A_425 = arith.constant 26 : i32
      %shift_left3A_426 = vector.broadcast %shift_left3A_425 : i32 to vector<16x8x1024xi32>
      %shift_left3A_427 = arith.shli %xor3A_423, %shift_left3A_426 : vector<16x8x1024xi32>
      %shift_right_logical3A_428 = arith.constant 6 : i32
      %shift_right_logical3A_429 = vector.broadcast %shift_right_logical3A_428 : i32 to vector<16x8x1024xi32>
      %shift_right_logical3A_430 = arith.shrui %xor3A_423, %shift_right_logical3A_429 : vector<16x8x1024xi32>
      %or3A_431 = arith.ori %shift_left3A_427, %shift_right_logical3A_430 : vector<16x8x1024xi32>
      %xor3A_432 = arith.xori %or3A_431, %add3A_424 : vector<16x8x1024xi32>
      %add3A_433 = arith.addi %add3A_424, %xor3A_432 : vector<16x8x1024xi32>
      %shift_left3A_434 = arith.constant 6 : i32
      %shift_left3A_435 = vector.broadcast %shift_left3A_434 : i32 to vector<16x8x1024xi32>
      %shift_left3A_436 = arith.shli %xor3A_432, %shift_left3A_435 : vector<16x8x1024xi32>
      %shift_right_logical3A_437 = arith.constant 26 : i32
      %shift_right_logical3A_438 = vector.broadcast %shift_right_logical3A_437 : i32 to vector<16x8x1024xi32>
      %shift_right_logical3A_439 = arith.shrui %xor3A_432, %shift_right_logical3A_438 : vector<16x8x1024xi32>
      %or3A_440 = arith.ori %shift_left3A_436, %shift_right_logical3A_439 : vector<16x8x1024xi32>
      %xor3A_441 = arith.xori %or3A_440, %add3A_433 : vector<16x8x1024xi32>
      %add3A_442 = arith.constant 466689008 : i32
      %add3A_443 = vector.broadcast %add3A_442 : i32 to vector<16x8x1024xi32>
      %add3A_444 = arith.addi %add3A_433, %add3A_443 : vector<16x8x1024xi32>
      %add3A_445 = arith.constant 5 : i32
      %add3A_446 = vector.broadcast %add3A_445 : i32 to vector<16x8x1024xi32>
      %add3A_447 = arith.addi %xor3A_441, %add3A_446 : vector<16x8x1024xi32>
      %xor3A_448 = arith.xori %add3A_444, %add3A_447 : vector<16x8x1024xi32>
      %ge3A = arith.constant 0 : i32
      %ge3A_449 = vector.broadcast %ge3A : i32 to vector<16x8x1024xi32>
      %ge3A_450 = arith.cmpi sge, %xor3A_448, %ge3A_449 : vector<16x8x1024xi32>
      %mul3A_451 = arith.constant 16 : i32
      %mul3A_452 = arith.muli %mul3A_451, %scan3A_35 : i32
      %get3A_453 = arith.index_cast %mul3A_452 : i32 to index
      %get3A_454 = arith.constant 0 : index
      %get3A_455 = arith.constant 0 : index
      %get3A_456 = vector.load %arg2[%get3A_453, %get3A_454, %get3A_455] : memref<256x8x1024xf32, #tpu.memory_space<vmem>>, vector<16x8x1024xf32>
      %add3A_457 = arith.addf %get3A_456, %get3A_456 : vector<16x8x1024xf32>
      %broadcast_in_dim3A = arith.constant 0.000000e+00 : f32
      %broadcast_in_dim3A_458 = vector.broadcast %broadcast_in_dim3A : f32 to vector<16x8x1024xf32>
      %select_n3A = arith.select %ge3A_450, %add3A_457, %broadcast_in_dim3A_458 : vector<16x8x1024xi1>, vector<16x8x1024xf32>
      %mul3A_459 = arith.constant 16 : i32
      %mul3A_460 = arith.muli %mul3A_459, %scan3A_35 : i32
      %swap3A = arith.index_cast %mul3A_460 : i32 to index
      %swap3A_461 = arith.constant 0 : index
      %swap3A_462 = arith.constant 0 : index
      %swap3A_463 = vector.load %arg3[%swap3A, %swap3A_461, %swap3A_462] : memref<256x8x1024xf32, #tpu.memory_space<vmem>>, vector<16x8x1024xf32>
      tpu.vector_store %arg3[%swap3A, %swap3A_461, %swap3A_462], %select_n3A {strides = array<i32>} : memref<256x8x1024xf32, #tpu.memory_space<vmem>>, vector<16x8x1024xf32>,
    }
    %scan3A_34 = arith.constant 16 : i32
    return
  }
  func.func @transform_0(%arg0: i32) -> (i32, i32) {
    %c0_i32 = arith.constant 0 : i32
    %c0_i32_0 = arith.constant 0 : i32
    return %arg0, %c0_i32 : i32, i32
  }
  func.func @transform_1(%arg0: i32) -> (i32, i32, i32) {
    %c0_i32 = arith.constant 0 : i32
    %c0_i32_0 = arith.constant 0 : i32
    %c0_i32_1 = arith.constant 0 : i32
    return %arg0, %c0_i32, %c0_i32_0 : i32, i32, i32
  }
  func.func @transform_2(%arg0: i32) -> (i32, i32, i32) {
    %c0_i32 = arith.constant 0 : i32
    %c0_i32_0 = arith.constant 0 : i32
    %c0_i32_1 = arith.constant 0 : i32
    return %arg0, %c0_i32, %c0_i32_0 : i32, i32, i32
  }
}

</mosaic_0001>

<sc_bundles>
// kernel: sparse-core-data-format-call.1.cloned.1.call-start
scs
called_computation.1_lowered:
.L_overlay_start_0:
0x0: {  	s2 =	sld [smem:$0x3FD9]  }
0x1: {  	s3 =	sld [smem:$0x3FFE];
	_ =	sdelay $0x1  }
0x2: {  	s1 =	srdreg.scid  }
0x3: {  	s0 =	sand.u32 $0x1, s1  }
0x4: {  	s18 =	sshll.u32 s0, $0xA;
	s2 =	sadd.s32 s3, s2  }
0x5: {  	s2 =	sadd.s32 s2, s18  }
0x6: {  	[smem:$0x3FC5] =	sst s2  }
0x7: {  	_ = 	snop  }
0x8: {  	s2 =	sld [smem:$0x3FD0];
	(tm) =	ssettm $0x1  }
0x9: {  	s19 =	sld [smem:$0x3FFB];
	_ =	sdelay $0x3  }
0xa: {  	_ =	strace s19  }
0xb: {  	s3 =	sld [smem:$0x3FFC];
	_ =	sdelay $0x3  }
0xc: {  	_ =	strace s3  }
0xd: {  	s3 =	sld [smem:$0x3FFD];
	_ =	sdelay $0x3  }
0xe: {  	_ =	strace s3  }
0xf: {  	_ =	strace $0x8FFFFFFF  }
0x10: {  	s20 =	sld [smem:$0x3FDB];
	_ =	sdelay $0x1  }
0x11: {  	s4 =	simm.s32 $_scs_section_size  }
0x12: {  	s5 =	simm.s32 $_size__tile_overlayer_lowered;
	s6 =	simm.s32 $_tile_overlayer_lowered  }
0x13: {  	s23 =	simm.s32 $0x1BFF;
	s22 =	sshll.u32 s6, $0x1;
	s3 =	sadd.s32 s4, s20  }
0x14: {  	s7 =	simm.s32 $0x0;
	s21 =	sshll.u32 s5, $0x1;
	s5 =	sadd.s32 s22, s3  }
0x15: {  	[timem:s7], [sflag:s23] =	dma.local [hbm:s5], s21  }
0x16: {  	_ =	swait.ge [sflag:s23], s21  }
0x17: {  	s4 =	ssub.s32 $0x0, s21;
	[sflag:s23] =	ssyncset.done $0x0  }
0x18: {  	[sflag:s23] =	ssyncadd.s32 s4;
	_ =	sdelay $0x1  }
0x19: {  	s24 =	simm.s32 $0x1B8B  }
0x1a: {  	_ =	swait.ge [sflag:s24], $0x1  }
0x1b: {  	[sflag:s24] =	ssyncset.done $0x0  }
0x1c: {  	s26 =	simm.s32 $0x1B8E;
	s25 =	sld [smem:$0x3FFE];
	[sflag:s24] =	ssyncadd.s32 $0xFFFFFFFF  }
0x1d: {  	s27 =	simm.s32 $execute0_lowered;
	[smem:$0x3FD2] =	sst s26  }
0x1e: {  	s5 =	sshll.u32 s27, $0x1;
	_ =	strace $0x80000046;
	[dreg:$0x1] =	wrdreg $0xFFFFFFFF  }
0x1f: {  	s28 =	simm.s32 $_size_execute0_lowered;
	s3 =	sadd.s32 s3, s5;
	[dreg:$0x0] =	wrdreg $0x0  }
0x20: {  	s5 =	sshll.u32 s28, $0x1;
	[dreg:$0x2] =	wrdreg s3  }
0x21: {  	[dreg:$0x3] =	wrdreg s5  }
0x22: {  	[dreg:$0x4] =	wrdreg $0xC0  }
0x23: {  	_ =	task [dreg:s7], $0x5FFFF  }
0x24: {  	[dreg:$0x1] =	wrdreg $0xFFFFFFFF  }
0x25: {  	[dreg:$0x0] =	wrdreg $0x60  }
0x26: {  	[dreg:$0x2] =	wrdreg s2  }
0x27: {  	[dreg:$0x3] =	wrdreg s25  }
0x28: {  	[dreg:$0x4] =	wrdreg $0x9  }
0x29: {  	_ =	task.clear_ibuf [dreg:s7], $0x5FFFF;
	_ =	strace $0x90000046  }
0x2a: {  	s29 =	simm.s32 $0x9;
	_ =	strace $0x80000048  }
0x2b: {  	_ =	swait.ge [sflag:s29], $0x1  }
0x2c: {  	[sflag:s29] =	ssyncadd.s32 $0xFFFFFFFF  }
0x2d: {  	_ =	strace $0x90000048  }
0x2e: {  	_ =	sfence  }
0x2f: {  	s30 =	sld [smem:$0x0];
	_ =	sdelay $0x2  }
0x30: {  	s31 =	sshll.u32 s1, $0xD;
	s1 =	sshrl.u32 s1, $0x2  }
0x31: {  	s3 =	sand.u32 $0x4000, s31;
	s1 =	sadd.s32 s1, s30  }
0x32: {  	s0 =	sor.u32 s3, s0;
	s1 =	sshll.u32 s1, $0x11  }
0x33: {  	s0 =	sor.u32 s1, s0  }
0x34: {  	s0 =	sadd.s32 $0x8F2B, s0  }
0x35: {  	[sflag:s0] =	ssyncadd.remote.s32 $0x1  }
0x36: {  	_ =	sfence.sel $0xFFFF  }
0x37: {  	[dreg:$0x0] =	wrdreg $0xFFFFFFFF;
	(pc) =	sbr.abs _section_cstart, $3  }
0x38: {  	[dreg:$0x1] =	wrdreg $0xFFFFFFFF  }
0x39: {  	_ =	task.clear_ibuf [dreg:s7], $0x2FFFF;
	_ =	strace $0x9FFFFFFF  }
0x3a: {  	(tm) =	ssettm $0x7FFFFFFF  }
0x3b: {  	_ =	shalt  }
tec
execute0_lowered:
.L_overlay_start_1:
0x0: {  	(tag) =	ssettag $0x1  }
0x1: {  	s0 =	srdreg.scid  }
0x2: {  	s1 =	sshll.u32 s0, $0x4  }
0x3: {  	s0 =	stileid.u32;
	s1 =	sand.u32 $0x10, s1  }
0x4: {  	s2 =	rddreg [dreg:$0x0];
	s1 =	sor.u32 s0, s1  }
0x5: {  	s4 =	rddreg [dreg:$0x1];
	s7 =	simm.s32 $0x1;
	s3 =	sshll.u32 s1, $0x1  }
0x6: {  	s8 =	simm.s32 $0x2;
	s11 =	simm.s32 $0x0;
	s6 =	ssub.s32 $0x1000, s3  }
.Ltmp0:
0x7: {  	s10 =	simm.s32 $0x0;
	s5 =	sand.u32 $0x3E, s6;
	(pc) =	sbr.rel .LBB1_1-.Ltmp0, $4  }
0x8: {  	s1 =	rddreg [dreg:$0x2];
	_ =	strace $0x80000047;
	p0 =	sne.s32 s5, $0x0  }
0x9: {  	s6 =	sshrl.u32 s6, $0x6;
	s5 =	simm.s32 $0x1;
	s7 =	simm.s32 @!p0 $0x0  }
0xa: {  	s9 =	smov.u32 s3;
	[sflag:s5] =	ssyncpa.u1 $0x0;
	s6 =	sadd.s32 s7, s6  }
0xb: {  	[sflag:s8] =	ssyncpa.u1 $0x0;
	s8 =	simm.s32 $0x0;
	s7 =	sadd.s32 $0x1, s6  }
.LBB1_13:
0xc: {  	s13 =	sadd.s32 $0x40, s9  }
0xd: {  	p1 =	sgt.s32 s13, $0xFFF  }
0xe: {  	s13 =	smov.u32 @p1 s3;
	p1 =	sne.s32 s10, s7  }
.Ltmp1:
0xf: {  	p0 =	slt.u32 s10, $0x2;
	(pc) =	sbr.rel @!p1 .LBB1_14-.Ltmp1, $4  }
0x10: {  	s12 =	simm.s32 @!p0 $0x2  }
0x11: {  	_ =	swait.ge @!p0 [sflag:s12], $0x4000  }
0x12: {  	s14 =	sadd.s32 $0x1, s10;
	s11 =	smov.u32 s9;
	[sflag:s12] =	ssyncset.done @!p0 $0x0  }
0x13: {  	s10 =	smov.u32 s14;
	s9 =	smov.u32 s13;
	[sflag:s12] =	ssyncadd.s32 @!p0 $0xFFFFC000  }
.LBB1_1:
0x14: {  	p0 =	sge.u32 s10, s6  }
0x15: {  	s12 =	sxor.u32 @!p0 $0xFFFFFFFF, s10  }
0x16: {  	s31 =	sadd.s32 $0xFFFFFFFF, s10;
	s13 =	sshll.u32 @!p0 s9, $0xA;
	s12 =	sshll.u32 @!p0 s12, $0xE  }
0x17: {  	s14 =	simm.s32 @!p0 $0x0;
	s13 =	sadd.s32 @!p0 s2, s13;
	s12 =	sand.u32 @!p0 $0x4000, s12  }
0x18: {  	[tilespmem:s12], [sflag:$0x1] =	stream.linear.gather @!p0 [hbm4b:s13+s14], $0x4000, $0x38;
	[tilespmem:$0x10000] =	vst v63  }
0x19: {  	p0 =	sge.u32 s31, s6  }
.Ltmp2:
0x1a: {  	_ = 	snop;
	(pc) =	sbr.rel @p0 .LBB1_13-.Ltmp2, $1  }
0x1b: {  	_ =	sdelay $0x3  }
0x1c: {  	_ =	swait.ge [sflag:s5], $0x4000;
	s12 =	sshll.u32 s10, $0xE  }
0x1d: {  	s15 =	simm.s32 $0x0;
	[sflag:s5] =	ssyncset.done $0x0;
	s13 =	sand.u32 $0x4000, s12  }
0x1e: {  	p1 =	por $0x1, $0x1;
	[sflag:s5] =	ssyncadd.s32 $0xFFFFC000;
	s12 =	sor.u32 $0x8000, s13  }
.LBB1_3:
0x1f: {  	p0 =	por p1, p1  }
0x20: {  	s14 =	sadd.s32 s15, s13;
	s15 =	sadd.s32 s15, s12;
	s16 =	simm.s32 $0x0  }
.LBB1_4:
0x21: {  	s17 =	sshll.u32 s16, $0xB;
	s18 =	sshll.u32 s16, $0x8  }
0x22: {  	s17 =	sand.u32 $0x3FFFF800, s17;
	s18 =	sand.u32 $0x3FFFFF00, s18  }
0x23: {  	s19 =	simm.s32 $0x0;
	s17 =	sadd.s32 s17, s14;
	s18 =	sadd.s32 s18, s15  }
.LBB1_5:
0x24: {  	s20 =	sshll.u32 s19, $0x9;
	s21 =	sshll.u32 s19, $0xA  }
0x25: {  	p2 =	por $0x1, $0x1;
	s20 =	sand.u32 $0x3FFFFE00, s20;
	s21 =	sand.u32 $0x3FFFFC00, s21  }
0x26: {  	s22 =	simm.s32 $0x0;
	s20 =	sadd.s32 s20, s17;
	s21 =	sadd.s32 s21, s18  }
.LBB1_6:
0x27: {  	s23 =	sshll.u32 s22, $0x8  }
0x28: {  	s23 =	sand.u32 $0x3FFFFF00, s23  }
0x29: {  	s31 =	sshll.u32 s22, $0x7;
	s23 =	sadd.s32 s23, s20  }
0x2a: {  	s22 =	sand.u32 $0x3FFFFF80, s31;
	v0 =	vmov s23  }
0x2b: {  	s24 =	sadd.s32 s22, s21  }
0x2c: {  	p1 =	por p2, p2;
	p2 =	por $0x1, $0x1;
	s22 =	simm.s32 $0x0;
	v1 =	vmov s24  }
.LBB1_7:
0x2d: {  	s23 =	sshll.u32 s22, $0x7  }
0x2e: {  	s23 =	sand.u32 $0x3FFFFF80, s23  }
0x2f: {  	v2 =	vld.idx.msk [tilespmem:v0+s23+$0x0 ss:$0x1], $0xffff  }
0x30: {  	v3 =	vld.idx.msk [tilespmem:v0+s23+$0x10 ss:$0x1], $0xffff  }
0x31: {  	v4 =	vld.idx.msk [tilespmem:v0+s23+$0x20 ss:$0x1], $0xffff  }
0x32: {  	s31 =	sshll.u32 s22, $0xC;
	v5 =	vld.idx.msk [tilespmem:v0+s23+$0x30 ss:$0x1], $0xffff  }
0x33: {  	s22 =	sand.u32 $0x3FFFF000, s31;
	v6 =	vld.idx.msk [tilespmem:v0+s23+$0x40 ss:$0x1], $0xffff  }
0x34: {  	v63 =	vld.idx.msk [tilespmem:v0+s23+$0x70 ss:$0x1], $0xffff;
	[tilespmem:v1+s22+$0x0 ss:$0x1] =	vst.idx.msk $0xffff, v2  }
0x35: {  	v2 =	vld.idx.msk [tilespmem:v0+s23+$0x50 ss:$0x1], $0xffff;
	[tilespmem:v1+s22+$0x10 ss:$0x1] =	vst.idx.msk $0xffff, v3  }
0x36: {  	p3 =	por p2, p2;
	v3 =	vld.idx.msk [tilespmem:v0+s23+$0x60 ss:$0x1], $0xffff;
	[tilespmem:v1+s22+$0x20 ss:$0x1] =	vst.idx.msk $0xffff, v4  }
.Ltmp3:
0x37: {  	[tilespmem:v1+s22+$0x30 ss:$0x1] =	vst.idx.msk $0xffff, v5;
	(pc) =	sbr.rel @p3 .LBB1_7-.Ltmp3, $4  }
0x38: {  	[tilespmem:v1+s22+$0x40 ss:$0x1] =	vst.idx.msk $0xffff, v6  }
0x39: {  	[tilespmem:v1+s22+$0x70 ss:$0x1] =	vst.idx.msk $0xffff, v63  }
0x3a: {  	[tilespmem:v1+s22+$0x50 ss:$0x1] =	vst.idx.msk $0xffff, v2  }
0x3b: {  	p2 =	por $0x0, $0x0;
	[tilespmem:v1+s22+$0x60 ss:$0x1] =	vst.idx.msk $0xffff, v3;
	s22 =	simm.s32 $0x1  }
.Ltmp4:
0x3c: {  	(pc) =	sbr.rel @p1 .LBB1_6-.Ltmp4, $2  }
0x3d: {  	_ =	sdelay $0x2  }
0x3e: {  	s22 =	simm.s32 $0x1;
	p2 =	por $0x0, $0x0  }
0x3f: {  	s19 =	sadd.s32 $0x1, s19  }
0x40: {  	p1 =	sne.s32 s19, $0x4  }
.Ltmp5:
0x41: {  	_ = 	snop;
	(pc) =	sbr.rel @p1 .LBB1_5-.Ltmp5, $1  }
0x42: {  	_ =	sdelay $0x3  }
0x43: {  	s16 =	sadd.s32 $0x1, s16  }
0x44: {  	p1 =	sne.s32 s16, $0x4  }
.Ltmp6:
0x45: {  	_ = 	snop;
	(pc) =	sbr.rel @p1 .LBB1_4-.Ltmp6, $1  }
0x46: {  	_ =	sdelay $0x3  }
.Ltmp7:
0x47: {  	(pc) =	sbr.rel @p0 .LBB1_3-.Ltmp7, $2  }
0x48: {  	_ =	sdelay $0x2  }
0x49: {  	s15 =	simm.s32 $0x2000;
	p1 =	por $0x0, $0x0  }
.Ltmp8:
0x4a: {  	(pc) =	sbr.rel .LBB1_13-.Ltmp8, $4  }
0x4b: {  	_ = 	snop  }
0x4c: {  	s11 =	sshll.u32 s11, $0xA  }
0x4d: {  	s11 =	sadd.s32 s4, s11  }
0x4e: {  	[hbm4b:s11+s8] =	stream.linear.scatter [tilespmem:s12], [sflag:$0x2], $0x4000, $0x38;
	[tilespmem:$0x10000] =	vst v63  }
.LBB1_14:
0x4f: {  	_ =	sfence.sel $0x180000  }
0x50: {  	s2 =	simm.s32 $0x1;
	[bflag:$0x0] =	sbarrier.arrive $0xFFFF  }
0x51: {  	s31 =	simm.s32 $0x2;
	[sflag:s2] =	ssyncpa.u1 $0x1  }
0x52: {  	[sflag:s31] =	ssyncpa.u1 $0x1  }
0x53: {  	p0 =	sne.s32 s0, $0x0;
	_ =	strace $0x90000047  }
0x54: {  	s0 =	sadd.s32 @!p0 $0x100000, s1;
	[bflag:$0x2] =	sbarrier.arrive $0xFFFF  }
0x55: {  	[sflag:s0] =	ssyncadd.tile.s32 @!p0 $0x1;
	_ =	shalt  }
.Lfunc_end1:
_tile_overlayer_lowered:
.L_overlay_start_2:
0x56: {  	(tag) =	ssettag $0x2  }
0x57: {  	s0 =	rddreg [dreg:$0x0];
	s2 =	stileid.u32  }
0x58: {  	s1 =	rddreg [dreg:$0x1];
	p0 =	sne.s32 s2, $0x0  }
0x59: {  	s3 =	rddreg [dreg:$0x2];
	[bflag:$0x3] =	sbarrier.arrive $0xFFFF;
	s2 =	simm.s32 @!p0 $0x1C01  }
0x5a: {  	[timem:s3], [sflag:s2] =	dma.local @!p0 [hbm:s0], s1  }
0x5b: {  	s0 =	simm.s32 @!p0 $0x1  }
0x5c: {  	_ =	swait.ge @!p0 [sflag:s0], s1  }
0x5d: {  	s1 =	ssub.s32 @!p0 $0x0, s1;
	[sflag:s0] =	ssyncset.done @!p0 $0x0  }
0x5e: {  	[sflag:s0] =	ssyncadd.s32 @!p0 s1  }
0x5f: {  	[bflag:$0x3] =	sbarrier.arrive $0xFFFF  }
0x60: {  	_ =	shalt  }

// kernel: sparse-core-data-format-call.cloned.1.call-start
scs
called_computation_lowered:
.L_overlay_start_0:
0x0: {  	s2 =	sld [smem:$0x3FD9]  }
0x1: {  	s3 =	sld [smem:$0x3FFE];
	_ =	sdelay $0x1  }
0x2: {  	s1 =	srdreg.scid  }
0x3: {  	s0 =	sand.u32 $0x1, s1  }
0x4: {  	s18 =	sshll.u32 s0, $0xA;
	s2 =	sadd.s32 s3, s2  }
0x5: {  	s2 =	sadd.s32 s2, s18  }
0x6: {  	[smem:$0x3FC5] =	sst s2  }
0x7: {  	_ = 	snop  }
0x8: {  	s2 =	sld [smem:$0x3FD0];
	(tm) =	ssettm $0x1  }
0x9: {  	s19 =	sld [smem:$0x3FFB];
	_ =	sdelay $0x3  }
0xa: {  	_ =	strace s19  }
0xb: {  	s3 =	sld [smem:$0x3FFC];
	_ =	sdelay $0x3  }
0xc: {  	_ =	strace s3  }
0xd: {  	s3 =	sld [smem:$0x3FFD];
	_ =	sdelay $0x3  }
0xe: {  	_ =	strace s3  }
0xf: {  	_ =	strace $0x8FFFFFFF  }
0x10: {  	s20 =	sld [smem:$0x3FDB];
	_ =	sdelay $0x1  }
0x11: {  	s4 =	simm.s32 $_scs_section_size  }
0x12: {  	s5 =	simm.s32 $_size__tile_overlayer_lowered;
	s6 =	simm.s32 $_tile_overlayer_lowered  }
0x13: {  	s23 =	simm.s32 $0x1BFF;
	s22 =	sshll.u32 s6, $0x1;
	s3 =	sadd.s32 s4, s20  }
0x14: {  	s7 =	simm.s32 $0x0;
	s21 =	sshll.u32 s5, $0x1;
	s5 =	sadd.s32 s22, s3  }
0x15: {  	[timem:s7], [sflag:s23] =	dma.local [hbm:s5], s21  }
0x16: {  	_ =	swait.ge [sflag:s23], s21  }
0x17: {  	s4 =	ssub.s32 $0x0, s21;
	[sflag:s23] =	ssyncset.done $0x0  }
0x18: {  	[sflag:s23] =	ssyncadd.s32 s4;
	_ =	sdelay $0x1  }
0x19: {  	s24 =	simm.s32 $0x1B8B  }
0x1a: {  	_ =	swait.ge [sflag:s24], $0x1  }
0x1b: {  	[sflag:s24] =	ssyncset.done $0x0  }
0x1c: {  	s26 =	simm.s32 $0x1B8E;
	s25 =	sld [smem:$0x3FFE];
	[sflag:s24] =	ssyncadd.s32 $0xFFFFFFFF  }
0x1d: {  	s27 =	simm.s32 $execute0_lowered;
	[smem:$0x3FD2] =	sst s26  }
0x1e: {  	s5 =	sshll.u32 s27, $0x1;
	_ =	strace $0x80000049;
	[dreg:$0x1] =	wrdreg $0xFFFFFFFF  }
0x1f: {  	s28 =	simm.s32 $_size_execute0_lowered;
	s3 =	sadd.s32 s3, s5;
	[dreg:$0x0] =	wrdreg $0x0  }
0x20: {  	s5 =	sshll.u32 s28, $0x1;
	[dreg:$0x2] =	wrdreg s3  }
0x21: {  	[dreg:$0x3] =	wrdreg s5  }
0x22: {  	[dreg:$0x4] =	wrdreg $0xC0  }
0x23: {  	_ =	task [dreg:s7], $0x5FFFF  }
0x24: {  	[dreg:$0x1] =	wrdreg $0xFFFFFFFF  }
0x25: {  	[dreg:$0x0] =	wrdreg $0x60  }
0x26: {  	[dreg:$0x2] =	wrdreg s2  }
0x27: {  	[dreg:$0x3] =	wrdreg s25  }
0x28: {  	[dreg:$0x4] =	wrdreg $0x9  }
0x29: {  	_ =	task.clear_ibuf [dreg:s7], $0x5FFFF;
	_ =	strace $0x90000049  }
0x2a: {  	s29 =	simm.s32 $0x9;
	_ =	strace $0x8000004B  }
0x2b: {  	_ =	swait.ge [sflag:s29], $0x1  }
0x2c: {  	[sflag:s29] =	ssyncadd.s32 $0xFFFFFFFF  }
0x2d: {  	_ =	strace $0x9000004B  }
0x2e: {  	_ =	sfence  }
0x2f: {  	s30 =	sld [smem:$0x0];
	_ =	sdelay $0x2  }
0x30: {  	s31 =	sshll.u32 s1, $0xD;
	s1 =	sshrl.u32 s1, $0x2  }
0x31: {  	s3 =	sand.u32 $0x4000, s31;
	s1 =	sadd.s32 s1, s30  }
0x32: {  	s0 =	sor.u32 s3, s0;
	s1 =	sshll.u32 s1, $0x11  }
0x33: {  	s0 =	sor.u32 s1, s0  }
0x34: {  	s0 =	sadd.s32 $0x8F2B, s0  }
0x35: {  	[sflag:s0] =	ssyncadd.remote.s32 $0x1  }
0x36: {  	_ =	sfence.sel $0xFFFF  }
0x37: {  	[dreg:$0x0] =	wrdreg $0xFFFFFFFF;
	(pc) =	sbr.abs _section_cstart, $3  }
0x38: {  	[dreg:$0x1] =	wrdreg $0xFFFFFFFF  }
0x39: {  	_ =	task.clear_ibuf [dreg:s7], $0x2FFFF;
	_ =	strace $0x9FFFFFFF  }
0x3a: {  	(tm) =	ssettm $0x7FFFFFFF  }
0x3b: {  	_ =	shalt  }
tec
execute0_lowered:
.L_overlay_start_1:
0x0: {  	(tag) =	ssettag $0x1  }
0x1: {  	s0 =	srdreg.scid  }
0x2: {  	s1 =	sshll.u32 s0, $0x4  }
0x3: {  	s0 =	stileid.u32;
	s1 =	sand.u32 $0x10, s1  }
0x4: {  	s2 =	rddreg [dreg:$0x0];
	s1 =	sor.u32 s0, s1  }
0x5: {  	s4 =	rddreg [dreg:$0x1];
	s7 =	simm.s32 $0x1;
	s3 =	sshll.u32 s1, $0x1  }
0x6: {  	s8 =	simm.s32 $0x2;
	s11 =	simm.s32 $0x0;
	s6 =	ssub.s32 $0x1000, s3  }
.Ltmp0:
0x7: {  	s10 =	simm.s32 $0x0;
	s5 =	sand.u32 $0x3E, s6;
	(pc) =	sbr.rel .LBB1_1-.Ltmp0, $4  }
0x8: {  	s1 =	rddreg [dreg:$0x2];
	_ =	strace $0x8000004A;
	p0 =	sne.s32 s5, $0x0  }
0x9: {  	s6 =	sshrl.u32 s6, $0x6;
	s5 =	simm.s32 $0x1;
	s7 =	simm.s32 @!p0 $0x0  }
0xa: {  	s9 =	smov.u32 s3;
	[sflag:s5] =	ssyncpa.u1 $0x0;
	s6 =	sadd.s32 s7, s6  }
0xb: {  	[sflag:s8] =	ssyncpa.u1 $0x0;
	s8 =	simm.s32 $0x0;
	s7 =	sadd.s32 $0x1, s6  }
.LBB1_13:
0xc: {  	s13 =	sadd.s32 $0x40, s9  }
0xd: {  	p1 =	sgt.s32 s13, $0xFFF  }
0xe: {  	s13 =	smov.u32 @p1 s3;
	p1 =	sne.s32 s10, s7  }
.Ltmp1:
0xf: {  	p0 =	slt.u32 s10, $0x2;
	(pc) =	sbr.rel @!p1 .LBB1_14-.Ltmp1, $4  }
0x10: {  	s12 =	simm.s32 @!p0 $0x2  }
0x11: {  	_ =	swait.ge @!p0 [sflag:s12], $0x4000  }
0x12: {  	s14 =	sadd.s32 $0x1, s10;
	s11 =	smov.u32 s9;
	[sflag:s12] =	ssyncset.done @!p0 $0x0  }
0x13: {  	s10 =	smov.u32 s14;
	s9 =	smov.u32 s13;
	[sflag:s12] =	ssyncadd.s32 @!p0 $0xFFFFC000  }
.LBB1_1:
0x14: {  	p0 =	sge.u32 s10, s6  }
0x15: {  	s12 =	sxor.u32 @!p0 $0xFFFFFFFF, s10  }
0x16: {  	s31 =	sadd.s32 $0xFFFFFFFF, s10;
	s13 =	sshll.u32 @!p0 s9, $0xA;
	s12 =	sshll.u32 @!p0 s12, $0xE  }
0x17: {  	s14 =	simm.s32 @!p0 $0x0;
	s13 =	sadd.s32 @!p0 s2, s13;
	s12 =	sand.u32 @!p0 $0x4000, s12  }
0x18: {  	[tilespmem:s12], [sflag:$0x1] =	stream.linear.gather @!p0 [hbm4b:s13+s14], $0x4000, $0x38;
	[tilespmem:$0x10000] =	vst v63  }
0x19: {  	p0 =	sge.u32 s31, s6  }
.Ltmp2:
0x1a: {  	_ = 	snop;
	(pc) =	sbr.rel @p0 .LBB1_13-.Ltmp2, $1  }
0x1b: {  	_ =	sdelay $0x3  }
0x1c: {  	_ =	swait.ge [sflag:s5], $0x4000;
	s12 =	sshll.u32 s10, $0xE  }
0x1d: {  	s15 =	simm.s32 $0x0;
	[sflag:s5] =	ssyncset.done $0x0;
	s13 =	sand.u32 $0x4000, s12  }
0x1e: {  	p1 =	por $0x1, $0x1;
	[sflag:s5] =	ssyncadd.s32 $0xFFFFC000;
	s12 =	sor.u32 $0x8000, s13  }
.LBB1_3:
0x1f: {  	s14 =	sadd.s32 s15, s13;
	p0 =	por p1, p1  }
0x20: {  	s15 =	sadd.s32 s15, s12;
	p2 =	por $0x1, $0x1;
	s16 =	simm.s32 $0x0  }
.LBB1_4:
0x21: {  	s17 =	sshll.u32 s16, $0xC;
	s31 =	sshll.u32 s16, $0x7  }
0x22: {  	p1 =	por p2, p2;
	s17 =	sand.u32 $0x3FFFF000, s17;
	s18 =	sand.u32 $0x3FFFFF80, s31  }
0x23: {  	s16 =	sadd.s32 s17, s14;
	s17 =	sadd.s32 s18, s15;
	s18 =	simm.s32 $0x0  }
.LBB1_5:
0x24: {  	s19 =	sshll.u32 s18, $0xA;
	s20 =	sshll.u32 s18, $0x9  }
0x25: {  	s19 =	sand.u32 $0x3FFFFC00, s19;
	s20 =	sand.u32 $0x3FFFFE00, s20  }
0x26: {  	s21 =	simm.s32 $0x0;
	s19 =	sadd.s32 s19, s16;
	s20 =	sadd.s32 s20, s17  }
.LBB1_6:
0x27: {  	s22 =	sshll.u32 s21, $0x8  }
0x28: {  	s22 =	sand.u32 $0x3FFFFF00, s22  }
0x29: {  	s23 =	sshll.u32 s21, $0xB;
	s24 =	sadd.s32 s22, s19  }
0x2a: {  	s23 =	sand.u32 $0x3FFFF800, s23;
	v0 =	vmov s24  }
0x2b: {  	s23 =	sadd.s32 s23, s20  }
0x2c: {  	p2 =	por $0x1, $0x1;
	s22 =	simm.s32 $0x0;
	v1 =	vmov s23  }
.LBB1_7:
0x2d: {  	s23 =	sshll.u32 s22, $0x7  }
0x2e: {  	s23 =	sand.u32 $0x3FFFFF80, s23  }
0x2f: {  	v2 =	vld.idx.msk [tilespmem:v0+s23+$0x0 ss:$0x1], $0xffff  }
0x30: {  	v3 =	vld.idx.msk [tilespmem:v0+s23+$0x10 ss:$0x1], $0xffff  }
0x31: {  	v4 =	vld.idx.msk [tilespmem:v0+s23+$0x20 ss:$0x1], $0xffff  }
0x32: {  	s31 =	sshll.u32 s22, $0x8;
	v5 =	vld.idx.msk [tilespmem:v0+s23+$0x30 ss:$0x1], $0xffff  }
0x33: {  	s22 =	sand.u32 $0x3FFFFF00, s31;
	v6 =	vld.idx.msk [tilespmem:v0+s23+$0x40 ss:$0x1], $0xffff  }
0x34: {  	v63 =	vld.idx.msk [tilespmem:v0+s23+$0x70 ss:$0x1], $0xffff;
	[tilespmem:v1+s22+$0x0 ss:$0x1] =	vst.idx.msk $0xffff, v2  }
0x35: {  	v2 =	vld.idx.msk [tilespmem:v0+s23+$0x50 ss:$0x1], $0xffff;
	[tilespmem:v1+s22+$0x10 ss:$0x1] =	vst.idx.msk $0xffff, v3  }
0x36: {  	p3 =	por p2, p2;
	v3 =	vld.idx.msk [tilespmem:v0+s23+$0x60 ss:$0x1], $0xffff;
	[tilespmem:v1+s22+$0x20 ss:$0x1] =	vst.idx.msk $0xffff, v4  }
.Ltmp3:
0x37: {  	[tilespmem:v1+s22+$0x30 ss:$0x1] =	vst.idx.msk $0xffff, v5;
	(pc) =	sbr.rel @p3 .LBB1_7-.Ltmp3, $4  }
0x38: {  	[tilespmem:v1+s22+$0x40 ss:$0x1] =	vst.idx.msk $0xffff, v6  }
0x39: {  	[tilespmem:v1+s22+$0x70 ss:$0x1] =	vst.idx.msk $0xffff, v63  }
0x3a: {  	[tilespmem:v1+s22+$0x50 ss:$0x1] =	vst.idx.msk $0xffff, v2  }
0x3b: {  	p2 =	por $0x0, $0x0;
	[tilespmem:v1+s22+$0x60 ss:$0x1] =	vst.idx.msk $0xffff, v3;
	s22 =	simm.s32 $0x1  }
0x3c: {  	s21 =	sadd.s32 $0x1, s21  }
0x3d: {  	p2 =	sne.s32 s21, $0x4  }
.Ltmp4:
0x3e: {  	_ = 	snop;
	(pc) =	sbr.rel @p2 .LBB1_6-.Ltmp4, $1  }
0x3f: {  	_ =	sdelay $0x3  }
0x40: {  	s18 =	sadd.s32 $0x1, s18  }
0x41: {  	p2 =	sne.s32 s18, $0x4  }
.Ltmp5:
0x42: {  	_ = 	snop;
	(pc) =	sbr.rel @p2 .LBB1_5-.Ltmp5, $1  }
0x43: {  	_ =	sdelay $0x3  }
.Ltmp6:
0x44: {  	(pc) =	sbr.rel @p1 .LBB1_4-.Ltmp6, $2  }
0x45: {  	_ =	sdelay $0x2  }
0x46: {  	s16 =	simm.s32 $0x1;
	p2 =	por $0x0, $0x0  }
.Ltmp7:
0x47: {  	(pc) =	sbr.rel @p0 .LBB1_3-.Ltmp7, $2  }
0x48: {  	_ =	sdelay $0x2  }
0x49: {  	s15 =	simm.s32 $0x2000;
	p1 =	por $0x0, $0x0  }
.Ltmp8:
0x4a: {  	(pc) =	sbr.rel .LBB1_13-.Ltmp8, $4  }
0x4b: {  	_ = 	snop  }
0x4c: {  	s11 =	sshll.u32 s11, $0xA  }
0x4d: {  	s11 =	sadd.s32 s4, s11  }
0x4e: {  	[hbm4b:s11+s8] =	stream.linear.scatter [tilespmem:s12], [sflag:$0x2], $0x4000, $0x38;
	[tilespmem:$0x10000] =	vst v63  }
.LBB1_14:
0x4f: {  	_ =	sfence.sel $0x180000  }
0x50: {  	s2 =	simm.s32 $0x1;
	[bflag:$0x0] =	sbarrier.arrive $0xFFFF  }
0x51: {  	s31 =	simm.s32 $0x2;
	[sflag:s2] =	ssyncpa.u1 $0x1  }
0x52: {  	[sflag:s31] =	ssyncpa.u1 $0x1  }
0x53: {  	p0 =	sne.s32 s0, $0x0;
	_ =	strace $0x9000004A  }
0x54: {  	s0 =	sadd.s32 @!p0 $0x100000, s1;
	[bflag:$0x2] =	sbarrier.arrive $0xFFFF  }
0x55: {  	[sflag:s0] =	ssyncadd.tile.s32 @!p0 $0x1;
	_ =	shalt  }
.Lfunc_end1:
_tile_overlayer_lowered:
.L_overlay_start_2:
0x56: {  	(tag) =	ssettag $0x2  }
0x57: {  	s0 =	rddreg [dreg:$0x0];
	s2 =	stileid.u32  }
0x58: {  	s1 =	rddreg [dreg:$0x1];
	p0 =	sne.s32 s2, $0x0  }
0x59: {  	s3 =	rddreg [dreg:$0x2];
	[bflag:$0x3] =	sbarrier.arrive $0xFFFF;
	s2 =	simm.s32 @!p0 $0x1C01  }
0x5a: {  	[timem:s3], [sflag:s2] =	dma.local @!p0 [hbm:s0], s1  }
0x5b: {  	s0 =	simm.s32 @!p0 $0x1  }
0x5c: {  	_ =	swait.ge @!p0 [sflag:s0], s1  }
0x5d: {  	s1 =	ssub.s32 @!p0 $0x0, s1;
	[sflag:s0] =	ssyncset.done @!p0 $0x0  }
0x5e: {  	[sflag:s0] =	ssyncadd.s32 @!p0 s1  }
0x5f: {  	[bflag:$0x3] =	sbarrier.arrive $0xFFFF  }
0x60: {  	_ =	shalt  }

</sc_bundles>
